<compile_context>
chip_gen: v7x
topology: tpu7x:2x2x1
jax: 0.10.2.dev20260603
libtpu: 0.0.44.dev20260713+nightly
codegen_flags: <defaults>
</compile_context>

<pallas_src>
import functools

import jax
import jax.numpy as jnp
from jax import lax
from jax.experimental import pallas as pl
from jax.experimental.pallas import tpu as pltpu
from jax.experimental.pallas import tpu_sc as plsc

_B = 16384
_D = 128
_K = 100
_ALPHA = 0.5
_EPS = 1e-6

_SB = 4096
_TCB = 4096
_NB = (_B - _SB) // _TCB

_INFO = plsc.get_sparse_core_info()
_NC = _INFO.num_cores
_NS = _INFO.num_subcores
_NW = _NC * _NS
_RW = _SB // _NW
_CH = _RW
_NCHUNK = 1

_mesh = plsc.VectorSubcoreMesh(core_axis_name="c", subcore_axis_name="s")


@functools.partial(
    pl.kernel,
    mesh=_mesh,
    out_type=jax.ShapeDtypeStruct((_NW, 16), jnp.float32),
    compiler_params=pltpu.CompilerParams(needs_layout_passes=False),
    scratch_types=[
        pltpu.VMEM((_RW,), jnp.int32),
        pltpu.VMEM((_K, _D), jnp.float32),
        pltpu.VMEM_SHARED((_K, _D), jnp.float32),
        pltpu.VMEM((_CH, _D), jnp.float32),
        pltpu.VMEM((16,), jnp.float32),
        pltpu.SemaphoreType.DMA,
    ],
)
def _center_partials(emb_hbm, lab_hbm, cen_hbm, out_hbm,
                     lab_v, tab_v, tab_sp, emb0, acc_v, sem0):
    wid = lax.axis_index("s") * _NC + lax.axis_index("c")
    base = wid * _RW
    cp = pltpu.async_copy(emb_hbm.at[pl.ds(base, _CH)], emb0, sem0)

    @pl.when(lax.axis_index("s") == 0)
    def _():
        pltpu.sync_copy(cen_hbm, tab_sp)

    plsc.subcore_barrier()
    pltpu.sync_copy(tab_sp, tab_v)
    pltpu.sync_copy(lab_hbm.at[pl.ds(base, _RW)], lab_v)

    cols = [lax.iota(jnp.int32, 16) + g * 16 for g in range(_D // 16)]
    cp.wait()

    @plsc.parallel_loop(0, _CH, unroll=2, carry=jnp.zeros((16,), jnp.float32))
    def acc(r, a):
        lbl = plsc.load_gather(lab_v, [jnp.full((16,), r, jnp.int32)])
        for g in range(_D // 16):
            c = plsc.load_gather(tab_v, [lbl, cols[g]])
            e = emb0[r, pl.ds(g * 16, 16)]
            d = e - c
            a = a + d * d
        return a

    acc_v[...] = acc
    pltpu.sync_copy(acc_v, out_hbm.at[wid])


def _tc_kernel(emb_ref, lab_ref, cen_ref, out_ref, accm_ref, accc_ref, e2_ref):
    i = pl.program_id(0)

    @pl.when(i == 0)
    def _():
        accm_ref[...] = jnp.zeros_like(accm_ref)
        accc_ref[...] = jnp.zeros_like(accc_ref)
        e2_ref[0] = 0.0

    e = emb_ref[...]
    lab = lab_ref[0]
    kk = lax.broadcasted_iota(jnp.int32, (_K, _TCB), 0)
    onehot_t = jnp.where(lab == kk, 1.0, 0.0)
    m = lax.dot_general(onehot_t.astype(jnp.bfloat16), e.astype(jnp.bfloat16),
                        (((1,), (0,)), ((), ())),
                        preferred_element_type=jnp.float32)
    accm_ref[...] += m
    accc_ref[...] += jnp.sum(onehot_t, axis=1, keepdims=True)
    e2_ref[0] += jnp.sum(e * e)

    @pl.when(i == _NB - 1)
    def _():
        c = cen_ref[...]
        norms = jnp.sum(c * c, axis=1, keepdims=True)
        center_sum = (e2_ref[0]
                      - 2.0 * jnp.sum(accm_ref[...] * c)
                      + jnp.sum(accc_ref[...] * norms))
        gm = lax.dot_general(c, c, (((1,), (1,)), ((), ())),
                             precision=lax.Precision.HIGHEST)
        row = lax.broadcasted_iota(jnp.int32, (_K, _K), 0)
        col = lax.broadcasted_iota(jnp.int32, (_K, _K), 1)
        eye = jnp.where(row == col, 1.0, 0.0)
        n_col = jnp.sum(gm * eye, axis=1, keepdims=True)
        n_row = jnp.sum(gm * eye, axis=0, keepdims=True)
        s_col = jnp.sum(c, axis=1, keepdims=True)
        s_row = jnp.sum(eye * s_col, axis=0, keepdims=True)
        d2 = (n_col + n_row - 2.0 * gm
              + (2.0 * _EPS) * (s_col - s_row) + _D * _EPS * _EPS)
        dist = jnp.sqrt(jnp.maximum(d2, 0.0)) * (1.0 - eye)
        out_ref[...] = jnp.reshape(
            jnp.stack([center_sum, jnp.sum(dist)]), (1, 2))


def _final_kernel(part_ref, tc_ref, out_ref):
    center_sum = jnp.sum(part_ref[...]) + tc_ref[0, 0]
    total = center_sum / (_B * _D) - _ALPHA * tc_ref[0, 1] / (_K * (_K - 1))
    out_ref[...] = jnp.reshape(total, (1, 1))


def kernel(embeddings, cluster_labels, centers):
    partials = _center_partials(embeddings, cluster_labels, centers)
    lab3d = cluster_labels.reshape(_B // _TCB, 1, _TCB)
    tc_out = pl.pallas_call(
        _tc_kernel,
        grid=(_NB,),
        in_specs=[
            pl.BlockSpec((_TCB, _D), lambda i: (i + _SB // _TCB, 0)),
            pl.BlockSpec((1, 1, _TCB), lambda i: (i + _SB // _TCB, 0, 0)),
            pl.BlockSpec((_K, _D), lambda i: (0, 0)),
        ],
        out_specs=pl.BlockSpec((1, 2), lambda i: (0, 0)),
        out_shape=jax.ShapeDtypeStruct((1, 2), jnp.float32),
        scratch_shapes=[
            pltpu.VMEM((_K, _D), jnp.float32),
            pltpu.VMEM((_K, 1), jnp.float32),
            pltpu.SMEM((1,), jnp.float32),
        ],
    )(embeddings, lab3d, centers)
    total = pl.pallas_call(
        _final_kernel,
        out_shape=jax.ShapeDtypeStruct((1, 1), jnp.float32),
    )(partials, tc_out)
    return total.reshape(())

# --- scband reference (transcript-rebuilt; emitter-appended) ---
"""Pipeline reference for scband-latent-space-regularizer-22050362097709 (READ-ONLY COPY).

The authoritative reference and input builder live on the scoring server;
editing this copy changes nothing except your own understanding.
"""

import jax, jax.numpy as jnp
import numpy as np

N_CLUSTERS = 100
EMBED_DIM = 128
BATCH = 16384
ALPHA = 0.5

def setup_inputs(seed: int = 0) -> dict:
    key = jax.random.key(seed)
    k1, k2, k3 = jax.random.split(key, 3)
    embeddings = jax.random.normal(k1, (BATCH, EMBED_DIM), dtype=jnp.float32)
    cluster_labels = jax.random.randint(k2, (BATCH,), 0, N_CLUSTERS, dtype=jnp.int32)
    centers = jax.random.normal(k3, (N_CLUSTERS, EMBED_DIM), dtype=jnp.float32)
    return {"embeddings": embeddings, "cluster_labels": cluster_labels, "centers": centers}

def reference(embeddings, cluster_labels, centers):
    K = N_CLUSTERS
    # center loss: gather assigned centers, MSE (mean over all elements)
    centers_batch = jnp.take(centers, cluster_labels, axis=0)
    center_loss = jnp.mean((embeddings - centers_batch) ** 2)
    # separation loss: pairwise L2 distance between centers
    # torch F.pairwise_distance adds eps=1e-6 to the difference before the norm
    diff = centers[:, None, :] - centers[None, :, :] + 1e-6
    distances = jnp.sqrt(jnp.sum(diff * diff, axis=-1))
    mask = 1.0 - jnp.eye(K, dtype=distances.dtype)
    distances = distances * mask
    separation_loss = -jnp.sum(distances) / (K * (K - 1))
    total_loss = center_loss + ALPHA * separation_loss
    return total_loss

if __name__ == "__main__":
    import jax
    _d = setup_inputs()
    print(jax.jit(kernel)(*tuple(_d.values())))

</pallas_src>

<mosaic_0001>
#map = affine_map<(d0, d1) -> (0, 0)>
#map1 = affine_map<(d0, d1) -> (0)>
module attributes {stable_mosaic.version = 14 : i64} {
  func.func @_center_partials(%arg0: i32, %arg1: i32, %arg2: memref<16384x128xf32, #tpu.memory_space<hbm>>, %arg3: memref<16384xi32, #tpu.memory_space<hbm>>, %arg4: memref<100x128xf32, #tpu.memory_space<hbm>>, %arg5: memref<32x16xf32, #tpu.memory_space<hbm>>, %arg6: memref<128xi32, #tpu.memory_space<vmem>>, %arg7: memref<100x128xf32, #tpu.memory_space<vmem>>, %arg8: memref<100x128xf32, #tpu.memory_space<vmem_shared>>, %arg9: memref<128x128xf32, #tpu.memory_space<vmem>>, %arg10: memref<16xf32, #tpu.memory_space<vmem>>, %arg11: memref<!tpu.dma_semaphore, #tpu.memory_space<semaphore_mem>>) attributes {dimension_semantics = [#tpu.dimension_semantics<core_parallel>, #tpu.dimension_semantics<subcore_parallel>], iteration_bounds = array<i64: 2, 16>, scalar_prefetch = 0 : i64, scratch_operands = 6 : i64, tpu.core_type = #tpu.core_type<sc_vector_subcore>, window_params = [{transform_indices = #map}, {transform_indices = #map1}, {transform_indices = #map}, {transform_indices = #map}]} {
    %mul3A = arith.constant 2 : i32
    %mul3A_0 = arith.muli %arg1, %mul3A : i32
    %add3A = arith.addi %mul3A_0, %arg0 : i32
    %mul3A_1 = arith.constant 128 : i32
    %mul3A_2 = arith.muli %add3A, %mul3A_1 : i32
    %dma_start3A = arith.constant 0 : i32
    %dma_start3A_3 = tpu.memref_slice %arg2[%mul3A_2, %dma_start3A] : memref<16384x128xf32, #tpu.memory_space<hbm>> -> memref<128x128xf32, #tpu.memory_space<hbm>>
    %dma_start3A_4 = arith.constant 0 : i32
    %dma_start3A_5 = tpu.memref_slice %arg2[%mul3A_2, %dma_start3A_4] : memref<16384x128xf32, #tpu.memory_space<hbm>> -> memref<128x128xf32, #tpu.memory_space<hbm>>
    tpu.enqueue_dma source(%dma_start3A_5 : memref<128x128xf32, #tpu.memory_space<hbm>>) target(%arg9 : memref<128x128xf32, #tpu.memory_space<vmem>>) target_semaphore(%arg11 : memref<!tpu.dma_semaphore, #tpu.memory_space<semaphore_mem>>)
    %eq3A = arith.constant 0 : i32
    %eq3A_6 = arith.cmpi eq, %arg1, %eq3A : i32
    %convert_element_type3A = arith.extui %eq3A_6 : i1 to i32
    %cond3A = arith.constant 0 : i32
    %cond3A_7 = arith.cmpi ne, %convert_element_type3A, %cond3A : i32
    scf.if %cond3A_7 {
      "tpu.region"() ({
        %run_scoped3A = tpu.sem_alloc : memref<!tpu.dma_semaphore, #tpu.memory_space<semaphore_mem>>
        tpu.enqueue_dma source(%arg4 : memref<100x128xf32, #tpu.memory_space<hbm>>) target(%arg8 : memref<100x128xf32, #tpu.memory_space<vmem_shared>>) target_semaphore(%run_scoped3A : memref<!tpu.dma_semaphore, #tpu.memory_space<semaphore_mem>>)
        tpu.wait_dma2 semaphore(%run_scoped3A : memref<!tpu.dma_semaphore, #tpu.memory_space<semaphore_mem>>) src(%arg4 : memref<100x128xf32, #tpu.memory_space<hbm>>) dst(%arg8 : memref<100x128xf32, #tpu.memory_space<vmem_shared>>)
        tpu.yield
      }) : () -> ()
    } else {
    }
    %barrier3A = arith.constant 0 : index
    tpu.barrier barrier_id(%barrier3A)
    "tpu.region"() ({
      %run_scoped3A = tpu.sem_alloc : memref<!tpu.dma_semaphore, #tpu.memory_space<semaphore_mem>>
      tpu.enqueue_dma source(%arg8 : memref<100x128xf32, #tpu.memory_space<vmem_shared>>) target(%arg7 : memref<100x128xf32, #tpu.memory_space<vmem>>) target_semaphore(%run_scoped3A : memref<!tpu.dma_semaphore, #tpu.memory_space<semaphore_mem>>)
      tpu.wait_dma2 semaphore(%run_scoped3A : memref<!tpu.dma_semaphore, #tpu.memory_space<semaphore_mem>>) src(%arg8 : memref<100x128xf32, #tpu.memory_space<vmem_shared>>) dst(%arg7 : memref<100x128xf32, #tpu.memory_space<vmem>>)
      tpu.yield
    }) : () -> ()
    "tpu.region"() ({
      %run_scoped3A = tpu.sem_alloc : memref<!tpu.dma_semaphore, #tpu.memory_space<semaphore_mem>>
      %dma_start3A_47 = tpu.memref_slice %arg3[%mul3A_2] : memref<16384xi32, #tpu.memory_space<hbm>> -> memref<128xi32, #tpu.memory_space<hbm>>
      %dma_start3A_48 = tpu.memref_slice %arg3[%mul3A_2] : memref<16384xi32, #tpu.memory_space<hbm>> -> memref<128xi32, #tpu.memory_space<hbm>>
      tpu.enqueue_dma source(%dma_start3A_48 : memref<128xi32, #tpu.memory_space<hbm>>) target(%arg6 : memref<128xi32, #tpu.memory_space<vmem>>) target_semaphore(%run_scoped3A : memref<!tpu.dma_semaphore, #tpu.memory_space<semaphore_mem>>)
      %dma_wait3A_49 = tpu.memref_slice %arg3[%mul3A_2] : memref<16384xi32, #tpu.memory_space<hbm>> -> memref<128xi32, #tpu.memory_space<hbm>>
      %dma_wait3A_50 = tpu.memref_slice %arg3[%mul3A_2] : memref<16384xi32, #tpu.memory_space<hbm>> -> memref<128xi32, #tpu.memory_space<hbm>>
      tpu.wait_dma2 semaphore(%run_scoped3A : memref<!tpu.dma_semaphore, #tpu.memory_space<semaphore_mem>>) src(%dma_wait3A_50 : memref<128xi32, #tpu.memory_space<hbm>>) dst(%arg6 : memref<128xi32, #tpu.memory_space<vmem>>)
      tpu.yield
    }) : () -> ()
    %iota3A = tpu.iota {dimensions = array<i32: 0>} : vector<16xi32>
    %add3A_8 = arith.constant 0 : i32
    %add3A_9 = vector.broadcast %add3A_8 : i32 to vector<16xi32>
    %add3A_10 = arith.addi %iota3A, %add3A_9 : vector<16xi32>
    %iota3A_11 = tpu.iota {dimensions = array<i32: 0>} : vector<16xi32>
    %add3A_12 = arith.constant 16 : i32
    %add3A_13 = vector.broadcast %add3A_12 : i32 to vector<16xi32>
    %add3A_14 = arith.addi %iota3A_11, %add3A_13 : vector<16xi32>
    %iota3A_15 = tpu.iota {dimensions = array<i32: 0>} : vector<16xi32>
    %add3A_16 = arith.constant 32 : i32
    %add3A_17 = vector.broadcast %add3A_16 : i32 to vector<16xi32>
    %add3A_18 = arith.addi %iota3A_15, %add3A_17 : vector<16xi32>
    %iota3A_19 = tpu.iota {dimensions = array<i32: 0>} : vector<16xi32>
    %add3A_20 = arith.constant 48 : i32
    %add3A_21 = vector.broadcast %add3A_20 : i32 to vector<16xi32>
    %add3A_22 = arith.addi %iota3A_19, %add3A_21 : vector<16xi32>
    %iota3A_23 = tpu.iota {dimensions = array<i32: 0>} : vector<16xi32>
    %add3A_24 = arith.constant 64 : i32
    %add3A_25 = vector.broadcast %add3A_24 : i32 to vector<16xi32>
    %add3A_26 = arith.addi %iota3A_23, %add3A_25 : vector<16xi32>
    %iota3A_27 = tpu.iota {dimensions = array<i32: 0>} : vector<16xi32>
    %add3A_28 = arith.constant 80 : i32
    %add3A_29 = vector.broadcast %add3A_28 : i32 to vector<16xi32>
    %add3A_30 = arith.addi %iota3A_27, %add3A_29 : vector<16xi32>
    %iota3A_31 = tpu.iota {dimensions = array<i32: 0>} : vector<16xi32>
    %add3A_32 = arith.constant 96 : i32
    %add3A_33 = vector.broadcast %add3A_32 : i32 to vector<16xi32>
    %add3A_34 = arith.addi %iota3A_31, %add3A_33 : vector<16xi32>
    %iota3A_35 = tpu.iota {dimensions = array<i32: 0>} : vector<16xi32>
    %add3A_36 = arith.constant 112 : i32
    %add3A_37 = vector.broadcast %add3A_36 : i32 to vector<16xi32>
    %add3A_38 = arith.addi %iota3A_35, %add3A_37 : vector<16xi32>
    %dma_wait3A = arith.constant 0 : i32
    %dma_wait3A_39 = tpu.memref_slice %arg2[%mul3A_2, %dma_wait3A] : memref<16384x128xf32, #tpu.memory_space<hbm>> -> memref<128x128xf32, #tpu.memory_space<hbm>>
    %dma_wait3A_40 = arith.constant 0 : i32
    %dma_wait3A_41 = tpu.memref_slice %arg2[%mul3A_2, %dma_wait3A_40] : memref<16384x128xf32, #tpu.memory_space<hbm>> -> memref<128x128xf32, #tpu.memory_space<hbm>>
    tpu.wait_dma2 semaphore(%arg11 : memref<!tpu.dma_semaphore, #tpu.memory_space<semaphore_mem>>) src(%dma_wait3A_41 : memref<128x128xf32, #tpu.memory_space<hbm>>) dst(%arg9 : memref<128x128xf32, #tpu.memory_space<vmem>>)
    %broadcast_in_dim3A = arith.constant 0.000000e+00 : f32
    %broadcast_in_dim3A_42 = vector.broadcast %broadcast_in_dim3A : f32 to vector<16xf32>
    %parallel_loop3A = arith.constant 0 : i32
    %parallel_loop3A_43 = arith.constant 128 : i32
    %parallel_loop3A_44 = arith.constant 1 : i32
    %parallel_loop3A_45 = scf.for %parallel_loop3A_47 = %parallel_loop3A to %parallel_loop3A_43 step %parallel_loop3A_44 iter_args(%parallel_loop3A_48 = %broadcast_in_dim3A_42) -> (vector<16xf32>)  : i32 {
      %parallel_loop3A_49 = vector.broadcast %parallel_loop3A_47 : i32 to vector<16xi32>
      %parallel_loop3A_50 = tpu.vector_load_idx %arg6[%parallel_loop3A_49] : memref<128xi32, #tpu.memory_space<vmem>>[vector<16xi32>], vector<16xi32>,
      %parallel_loop3A_51 = tpu.vector_load_idx %arg7[%parallel_loop3A_50, %add3A_10] : memref<100x128xf32, #tpu.memory_space<vmem>>[vector<16xi32>, vector<16xi32>], vector<16xf32>,
      %parallel_loop3A_52 = arith.index_cast %parallel_loop3A_47 : i32 to index
      %parallel_loop3A_53 = arith.constant 0 : index
      %parallel_loop3A_54 = tpu.vector_load %arg9[%parallel_loop3A_52, %parallel_loop3A_53] {strides = array<i32>} : memref<128x128xf32, #tpu.memory_space<vmem>>, vector<16xf32>,
      %parallel_loop3A_55 = arith.subf %parallel_loop3A_54, %parallel_loop3A_51 : vector<16xf32>
      %parallel_loop3A_56 = arith.mulf %parallel_loop3A_55, %parallel_loop3A_55 : vector<16xf32>
      %parallel_loop3A_57 = arith.addf %parallel_loop3A_48, %parallel_loop3A_56 : vector<16xf32>
      %parallel_loop3A_58 = tpu.vector_load_idx %arg7[%parallel_loop3A_50, %add3A_14] : memref<100x128xf32, #tpu.memory_space<vmem>>[vector<16xi32>, vector<16xi32>], vector<16xf32>,
      %parallel_loop3A_59 = arith.index_cast %parallel_loop3A_47 : i32 to index
      %parallel_loop3A_60 = arith.constant 16 : index
      %parallel_loop3A_61 = tpu.vector_load %arg9[%parallel_loop3A_59, %parallel_loop3A_60] {strides = array<i32>} : memref<128x128xf32, #tpu.memory_space<vmem>>, vector<16xf32>,
      %parallel_loop3A_62 = arith.subf %parallel_loop3A_61, %parallel_loop3A_58 : vector<16xf32>
      %parallel_loop3A_63 = arith.mulf %parallel_loop3A_62, %parallel_loop3A_62 : vector<16xf32>
      %parallel_loop3A_64 = arith.addf %parallel_loop3A_57, %parallel_loop3A_63 : vector<16xf32>
      %parallel_loop3A_65 = tpu.vector_load_idx %arg7[%parallel_loop3A_50, %add3A_18] : memref<100x128xf32, #tpu.memory_space<vmem>>[vector<16xi32>, vector<16xi32>], vector<16xf32>,
      %parallel_loop3A_66 = arith.index_cast %parallel_loop3A_47 : i32 to index
      %parallel_loop3A_67 = arith.constant 32 : index
      %parallel_loop3A_68 = tpu.vector_load %arg9[%parallel_loop3A_66, %parallel_loop3A_67] {strides = array<i32>} : memref<128x128xf32, #tpu.memory_space<vmem>>, vector<16xf32>,
      %parallel_loop3A_69 = arith.subf %parallel_loop3A_68, %parallel_loop3A_65 : vector<16xf32>
      %parallel_loop3A_70 = arith.mulf %parallel_loop3A_69, %parallel_loop3A_69 : vector<16xf32>
      %parallel_loop3A_71 = arith.addf %parallel_loop3A_64, %parallel_loop3A_70 : vector<16xf32>
      %parallel_loop3A_72 = tpu.vector_load_idx %arg7[%parallel_loop3A_50, %add3A_22] : memref<100x128xf32, #tpu.memory_space<vmem>>[vector<16xi32>, vector<16xi32>], vector<16xf32>,
      %parallel_loop3A_73 = arith.index_cast %parallel_loop3A_47 : i32 to index
      %parallel_loop3A_74 = arith.constant 48 : index
      %parallel_loop3A_75 = tpu.vector_load %arg9[%parallel_loop3A_73, %parallel_loop3A_74] {strides = array<i32>} : memref<128x128xf32, #tpu.memory_space<vmem>>, vector<16xf32>,
      %parallel_loop3A_76 = arith.subf %parallel_loop3A_75, %parallel_loop3A_72 : vector<16xf32>
      %parallel_loop3A_77 = arith.mulf %parallel_loop3A_76, %parallel_loop3A_76 : vector<16xf32>
      %parallel_loop3A_78 = arith.addf %parallel_loop3A_71, %parallel_loop3A_77 : vector<16xf32>
      %parallel_loop3A_79 = tpu.vector_load_idx %arg7[%parallel_loop3A_50, %add3A_26] : memref<100x128xf32, #tpu.memory_space<vmem>>[vector<16xi32>, vector<16xi32>], vector<16xf32>,
      %parallel_loop3A_80 = arith.index_cast %parallel_loop3A_47 : i32 to index
      %parallel_loop3A_81 = arith.constant 64 : index
      %parallel_loop3A_82 = tpu.vector_load %arg9[%parallel_loop3A_80, %parallel_loop3A_81] {strides = array<i32>} : memref<128x128xf32, #tpu.memory_space<vmem>>, vector<16xf32>,
      %parallel_loop3A_83 = arith.subf %parallel_loop3A_82, %parallel_loop3A_79 : vector<16xf32>
      %parallel_loop3A_84 = arith.mulf %parallel_loop3A_83, %parallel_loop3A_83 : vector<16xf32>
      %parallel_loop3A_85 = arith.addf %parallel_loop3A_78, %parallel_loop3A_84 : vector<16xf32>
      %parallel_loop3A_86 = tpu.vector_load_idx %arg7[%parallel_loop3A_50, %add3A_30] : memref<100x128xf32, #tpu.memory_space<vmem>>[vector<16xi32>, vector<16xi32>], vector<16xf32>,
      %parallel_loop3A_87 = arith.index_cast %parallel_loop3A_47 : i32 to index
      %parallel_loop3A_88 = arith.constant 80 : index
      %parallel_loop3A_89 = tpu.vector_load %arg9[%parallel_loop3A_87, %parallel_loop3A_88] {strides = array<i32>} : memref<128x128xf32, #tpu.memory_space<vmem>>, vector<16xf32>,
      %parallel_loop3A_90 = arith.subf %parallel_loop3A_89, %parallel_loop3A_86 : vector<16xf32>
      %parallel_loop3A_91 = arith.mulf %parallel_loop3A_90, %parallel_loop3A_90 : vector<16xf32>
      %parallel_loop3A_92 = arith.addf %parallel_loop3A_85, %parallel_loop3A_91 : vector<16xf32>
      %parallel_loop3A_93 = tpu.vector_load_idx %arg7[%parallel_loop3A_50, %add3A_34] : memref<100x128xf32, #tpu.memory_space<vmem>>[vector<16xi32>, vector<16xi32>], vector<16xf32>,
      %parallel_loop3A_94 = arith.index_cast %parallel_loop3A_47 : i32 to index
      %parallel_loop3A_95 = arith.constant 96 : index
      %parallel_loop3A_96 = tpu.vector_load %arg9[%parallel_loop3A_94, %parallel_loop3A_95] {strides = array<i32>} : memref<128x128xf32, #tpu.memory_space<vmem>>, vector<16xf32>,
      %parallel_loop3A_97 = arith.subf %parallel_loop3A_96, %parallel_loop3A_93 : vector<16xf32>
      %parallel_loop3A_98 = arith.mulf %parallel_loop3A_97, %parallel_loop3A_97 : vector<16xf32>
      %parallel_loop3A_99 = arith.addf %parallel_loop3A_92, %parallel_loop3A_98 : vector<16xf32>
      %parallel_loop3A_100 = tpu.vector_load_idx %arg7[%parallel_loop3A_50, %add3A_38] : memref<100x128xf32, #tpu.memory_space<vmem>>[vector<16xi32>, vector<16xi32>], vector<16xf32>,
      %parallel_loop3A_101 = arith.index_cast %parallel_loop3A_47 : i32 to index
      %parallel_loop3A_102 = arith.constant 112 : index
      %parallel_loop3A_103 = tpu.vector_load %arg9[%parallel_loop3A_101, %parallel_loop3A_102] {strides = array<i32>} : memref<128x128xf32, #tpu.memory_space<vmem>>, vector<16xf32>,
      %parallel_loop3A_104 = arith.subf %parallel_loop3A_103, %parallel_loop3A_100 : vector<16xf32>
      %parallel_loop3A_105 = arith.mulf %parallel_loop3A_104, %parallel_loop3A_104 : vector<16xf32>
      %parallel_loop3A_106 = arith.addf %parallel_loop3A_99, %parallel_loop3A_105 : vector<16xf32>
      scf.yield %parallel_loop3A_106 : vector<16xf32>
    } {sc.loop_unroll_factor = 2 : i64, sc.parallel_access}
    %swap3A = arith.constant 0 : index
    %swap3A_46 = tpu.vector_load %arg10[%swap3A] {strides = array<i32>} : memref<16xf32, #tpu.memory_space<vmem>>, vector<16xf32>,
    tpu.vector_store %arg10[%swap3A], %parallel_loop3A_45 {strides = array<i32>} : memref<16xf32, #tpu.memory_space<vmem>>, vector<16xf32>,
    "tpu.region"() ({
      %run_scoped3A = tpu.sem_alloc : memref<!tpu.dma_semaphore, #tpu.memory_space<semaphore_mem>>
      %dma_start3A_47 = arith.constant 0 : i32
      %dma_start3A_48 = tpu.memref_slice %arg5[%add3A, %dma_start3A_47] : memref<32x16xf32, #tpu.memory_space<hbm>> -> memref<1x16xf32, #tpu.memory_space<hbm>>
      %dma_start3A_49 = tpu.memref_squeeze %dma_start3A_48 : memref<1x16xf32, #tpu.memory_space<hbm>> -> memref<16xf32, #tpu.memory_space<hbm>>
      %dma_start3A_50 = arith.constant 0 : i32
      %dma_start3A_51 = tpu.memref_slice %arg5[%add3A, %dma_start3A_50] : memref<32x16xf32, #tpu.memory_space<hbm>> -> memref<1x16xf32, #tpu.memory_space<hbm>>
      %dma_start3A_52 = tpu.memref_squeeze %dma_start3A_51 : memref<1x16xf32, #tpu.memory_space<hbm>> -> memref<16xf32, #tpu.memory_space<hbm>>
      tpu.enqueue_dma source(%arg10 : memref<16xf32, #tpu.memory_space<vmem>>) target(%dma_start3A_52 : memref<16xf32, #tpu.memory_space<hbm>>) target_semaphore(%run_scoped3A : memref<!tpu.dma_semaphore, #tpu.memory_space<semaphore_mem>>)
      %dma_wait3A_53 = arith.constant 0 : i32
      %dma_wait3A_54 = tpu.memref_slice %arg5[%add3A, %dma_wait3A_53] : memref<32x16xf32, #tpu.memory_space<hbm>> -> memref<1x16xf32, #tpu.memory_space<hbm>>
      %dma_wait3A_55 = tpu.memref_squeeze %dma_wait3A_54 : memref<1x16xf32, #tpu.memory_space<hbm>> -> memref<16xf32, #tpu.memory_space<hbm>>
      %dma_wait3A_56 = arith.constant 0 : i32
      %dma_wait3A_57 = tpu.memref_slice %arg5[%add3A, %dma_wait3A_56] : memref<32x16xf32, #tpu.memory_space<hbm>> -> memref<1x16xf32, #tpu.memory_space<hbm>>
      %dma_wait3A_58 = tpu.memref_squeeze %dma_wait3A_57 : memref<1x16xf32, #tpu.memory_space<hbm>> -> memref<16xf32, #tpu.memory_space<hbm>>
      tpu.wait_dma2 semaphore(%run_scoped3A : memref<!tpu.dma_semaphore, #tpu.memory_space<semaphore_mem>>) src(%arg10 : memref<16xf32, #tpu.memory_space<vmem>>) dst(%dma_wait3A_58 : memref<16xf32, #tpu.memory_space<hbm>>)
      tpu.yield
    }) : () -> ()
    return
  }
}

module attributes {stable_mosaic.version = 14 : i64} {
  func.func @_final_kernel(%arg0: memref<32x16xf32, #tpu.memory_space<vmem>>, %arg1: memref<1x2xf32, #tpu.memory_space<vmem>>, %arg2: memref<1x1xf32, #tpu.memory_space<vmem>>) attributes {dimension_semantics = [], scalar_prefetch = 0 : i64, scratch_operands = 0 : i64, tpu.core_type = #tpu.core_type<tc>} {
    %get3A = arith.constant 0 : index
    %get3A_0 = arith.constant 0 : index
    %get3A_1 = vector.load %arg0[%get3A, %get3A_0] : memref<32x16xf32, #tpu.memory_space<vmem>>, vector<32x16xf32>
    %reduce_sum3A = vector.shape_cast %get3A_1 : vector<32x16xf32> to vector<1x32x16xf32>
    %reduce_sum3A_2 = arith.constant dense<0.000000e+00> : vector<1xf32>
    %reduce_sum3A_3 = vector.multi_reduction <add>, %reduce_sum3A, %reduce_sum3A_2 [1, 2] : vector<1x32x16xf32> to vector<1xf32>
    %reduce_sum3A_4 = vector.shape_cast %reduce_sum3A_3 : vector<1xf32> to vector<1x1x1xf32>
    %reduce_sum3A_5 = vector.extract %reduce_sum3A_4[0, 0, 0] : f32 from vector<1x1x1xf32>
    %get3A_6 = arith.constant 0 : index
    %get3A_7 = arith.constant 0 : index
    %get3A_8 = vector.load %arg1[%get3A_6, %get3A_7] : memref<1x2xf32, #tpu.memory_space<vmem>>, vector<1x1xf32>
    %get3A_9 = vector.extract %get3A_8[0, 0] : f32 from vector<1x1xf32>
    %add3A = arith.addf %reduce_sum3A_5, %get3A_9 : f32
    %div3A = arith.constant 0x4A000000 : f32
    %div3A_10 = arith.divf %add3A, %div3A : f32
    %get3A_11 = arith.constant 0 : index
    %get3A_12 = arith.constant 1 : index
    %get3A_13 = vector.load %arg1[%get3A_11, %get3A_12] : memref<1x2xf32, #tpu.memory_space<vmem>>, vector<1x1xf32>
    %get3A_14 = vector.extract %get3A_13[0, 0] : f32 from vector<1x1xf32>
    %mul3A = arith.constant 5.000000e-01 : f32
    %mul3A_15 = arith.mulf %mul3A, %get3A_14 : f32
    %div3A_16 = arith.constant 9.900000e+03 : f32
    %div3A_17 = arith.divf %mul3A_15, %div3A_16 : f32
    %sub3A = arith.subf %div3A_10, %div3A_17 : f32
    %reshape3A = vector.broadcast %sub3A : f32 to vector<1x1xf32>
    %swap3A = arith.constant 0 : index
    %swap3A_18 = arith.constant 0 : index
    %swap3A_19 = vector.load %arg2[%swap3A, %swap3A_18] : memref<1x1xf32, #tpu.memory_space<vmem>>, vector<1x1xf32>
    tpu.vector_store %arg2[%swap3A, %swap3A_18], %reshape3A {strides = array<i32>} : memref<1x1xf32, #tpu.memory_space<vmem>>, vector<1x1xf32>,
    return
  }
}

module attributes {stable_mosaic.version = 14 : i64} {
  func.func @_tc_kernel(%arg0: i32, %arg1: memref<4096x128xf32, #tpu.memory_space<vmem>>, %arg2: memref<1x1x4096xi32, #tpu.memory_space<vmem>>, %arg3: memref<100x128xf32, #tpu.memory_space<vmem>>, %arg4: memref<1x2xf32, #tpu.memory_space<vmem>>, %arg5: memref<100x128xf32, #tpu.memory_space<vmem>>, %arg6: memref<100x1xf32, #tpu.memory_space<vmem>>, %arg7: memref<1xf32, #tpu.memory_space<smem>>) attributes {dimension_semantics = [#tpu.dimension_semantics<arbitrary>], iteration_bounds = array<i64: 3>, scalar_prefetch = 0 : i64, scratch_operands = 3 : i64, tpu.core_type = #tpu.core_type<tc>, window_params = [{transform_indices = @transform_0, window_bounds = array<i64: 4096, 128>}, {transform_indices = @transform_1, window_bounds = array<i64: 1, 1, 4096>}, {pipeline_mode = #tpu.pipeline_mode<synchronous>, transform_indices = @transform_2, window_bounds = array<i64: 100, 128>}, {pipeline_mode = #tpu.pipeline_mode<synchronous>, transform_indices = @transform_3, window_bounds = array<i64: 1, 2>}]} {
    %eq3A = arith.constant 0 : i32
    %eq3A_0 = arith.cmpi eq, %arg0, %eq3A : i32
    %convert_element_type3A = arith.extui %eq3A_0 : i1 to i32
    %cond3A = arith.constant 0 : i32
    %cond3A_1 = arith.cmpi ne, %convert_element_type3A, %cond3A : i32
    scf.if %cond3A_1 {
      %broadcast_in_dim3A_45 = arith.constant 0.000000e+00 : f32
      %broadcast_in_dim3A_46 = vector.broadcast %broadcast_in_dim3A_45 : f32 to vector<100x128xf32>
      %swap3A_47 = arith.constant 0 : index
      %swap3A_48 = arith.constant 0 : index
      %swap3A_49 = vector.load %arg5[%swap3A_47, %swap3A_48] : memref<100x128xf32, #tpu.memory_space<vmem>>, vector<100x128xf32>
      tpu.vector_store %arg5[%swap3A_47, %swap3A_48], %broadcast_in_dim3A_46 {strides = array<i32>} : memref<100x128xf32, #tpu.memory_space<vmem>>, vector<100x128xf32>,
      %broadcast_in_dim3A_50 = arith.constant 0.000000e+00 : f32
      %broadcast_in_dim3A_51 = vector.broadcast %broadcast_in_dim3A_50 : f32 to vector<100x1xf32>
      %swap3A_52 = arith.constant 0 : index
      %swap3A_53 = arith.constant 0 : index
      %swap3A_54 = vector.load %arg6[%swap3A_52, %swap3A_53] : memref<100x1xf32, #tpu.memory_space<vmem>>, vector<100x1xf32>
      tpu.vector_store %arg6[%swap3A_52, %swap3A_53], %broadcast_in_dim3A_51 {strides = array<i32>} : memref<100x1xf32, #tpu.memory_space<vmem>>, vector<100x1xf32>,
      %swap3A_55 = arith.constant 0.000000e+00 : f32
      %swap3A_56 = arith.constant 0 : index
      %swap3A_57 = memref.load %arg7[%swap3A_56] : memref<1xf32, #tpu.memory_space<smem>>
      memref.store %swap3A_55, %arg7[%swap3A_56] : memref<1xf32, #tpu.memory_space<smem>>
    } else {
    }
    %get3A = arith.constant 0 : index
    %get3A_2 = arith.constant 0 : index
    %get3A_3 = vector.load %arg1[%get3A, %get3A_2] : memref<4096x128xf32, #tpu.memory_space<vmem>>, vector<4096x128xf32>
    %get3A_4 = arith.constant 0 : index
    %get3A_5 = arith.constant 0 : index
    %get3A_6 = arith.constant 0 : index
    %get3A_7 = vector.load %arg2[%get3A_4, %get3A_5, %get3A_6] : memref<1x1x4096xi32, #tpu.memory_space<vmem>>, vector<1x1x4096xi32>
    %get3A_8 = vector.shape_cast %get3A_7 : vector<1x1x4096xi32> to vector<1x4096xi32>
    %iota3A = tpu.iota {dimensions = array<i32: 0>} : vector<100x4096xi32>
    %eq3A_9 = vector.broadcast %get3A_8 : vector<1x4096xi32> to vector<100x4096xi32>
    %eq3A_10 = arith.cmpi eq, %eq3A_9, %iota3A : vector<100x4096xi32>
    %jit3A = arith.constant 1.000000e+00 : f32
    %jit3A_11 = arith.constant 0.000000e+00 : f32
    %broadcast_in_dim3A = vector.broadcast %jit3A : f32 to vector<100x4096xf32>
    %broadcast_in_dim3A_12 = vector.broadcast %jit3A_11 : f32 to vector<100x4096xf32>
    %select_n3A = arith.select %eq3A_10, %broadcast_in_dim3A, %broadcast_in_dim3A_12 : vector<100x4096xi1>, vector<100x4096xf32>
    %convert_element_type3A_13 = arith.truncf %select_n3A : vector<100x4096xf32> to vector<100x4096xbf16>
    %convert_element_type3A_14 = arith.truncf %get3A_3 : vector<4096x128xf32> to vector<4096x128xbf16>
    %dot_general3A = arith.constant dense<0.000000e+00> : vector<100x128xf32>
    %dot_general3A_15 = tpu.matmul %convert_element_type3A_13, %convert_element_type3A_14, %dot_general3A {dimension_numbers = #tpu.dot_dimension_numbers<[1], [0], [0], [1], [0, 0, 1, 1], [], []>, transpose_lhs_hint = false} : vector<100x4096xbf16>, vector<4096x128xbf16>, vector<100x128xf32> -> vector<100x128xf32>
    %get3A_16 = arith.constant 0 : index
    %get3A_17 = arith.constant 0 : index
    %get3A_18 = vector.load %arg5[%get3A_16, %get3A_17] : memref<100x128xf32, #tpu.memory_space<vmem>>, vector<100x128xf32>
    %add3A = arith.addf %get3A_18, %dot_general3A_15 : vector<100x128xf32>
    %swap3A = arith.constant 0 : index
    %swap3A_19 = arith.constant 0 : index
    %swap3A_20 = vector.load %arg5[%swap3A, %swap3A_19] : memref<100x128xf32, #tpu.memory_space<vmem>>, vector<100x128xf32>
    tpu.vector_store %arg5[%swap3A, %swap3A_19], %add3A {strides = array<i32>} : memref<100x128xf32, #tpu.memory_space<vmem>>, vector<100x128xf32>,
    %get3A_21 = arith.constant 0 : index
    %get3A_22 = arith.constant 0 : index
    %get3A_23 = vector.load %arg6[%get3A_21, %get3A_22] : memref<100x1xf32, #tpu.memory_space<vmem>>, vector<100x1xf32>
    %reduce_sum3A = arith.constant dense<0.000000e+00> : vector<100xf32>
    %reduce_sum3A_24 = vector.multi_reduction <add>, %select_n3A, %reduce_sum3A [1] : vector<100x4096xf32> to vector<100xf32>
    %broadcast_in_dim3A_25 = vector.shape_cast %reduce_sum3A_24 : vector<100xf32> to vector<100x1xf32>
    %add3A_26 = arith.addf %get3A_23, %broadcast_in_dim3A_25 : vector<100x1xf32>
    %swap3A_27 = arith.constant 0 : index
    %swap3A_28 = arith.constant 0 : index
    %swap3A_29 = vector.load %arg6[%swap3A_27, %swap3A_28] : memref<100x1xf32, #tpu.memory_space<vmem>>, vector<100x1xf32>
    tpu.vector_store %arg6[%swap3A_27, %swap3A_28], %add3A_26 {strides = array<i32>} : memref<100x1xf32, #tpu.memory_space<vmem>>, vector<100x1xf32>,
    %get3A_30 = arith.constant 0 : index
    %get3A_31 = memref.load %arg7[%get3A_30] : memref<1xf32, #tpu.memory_space<smem>>
    %mul3A = arith.mulf %get3A_3, %get3A_3 : vector<4096x128xf32>
    %reduce_sum3A_32 = vector.shape_cast %mul3A : vector<4096x128xf32> to vector<1x4096x128xf32>
    %reduce_sum3A_33 = arith.constant dense<0.000000e+00> : vector<1xf32>
    %reduce_sum3A_34 = vector.multi_reduction <add>, %reduce_sum3A_32, %reduce_sum3A_33 [1, 2] : vector<1x4096x128xf32> to vector<1xf32>
    %reduce_sum3A_35 = vector.shape_cast %reduce_sum3A_34 : vector<1xf32> to vector<1x1x1xf32>
    %reduce_sum3A_36 = vector.extract %reduce_sum3A_35[0, 0, 0] : f32 from vector<1x1x1xf32>
    %add3A_37 = arith.addf %get3A_31, %reduce_sum3A_36 : f32
    %swap3A_38 = arith.constant 0 : index
    %swap3A_39 = memref.load %arg7[%swap3A_38] : memref<1xf32, #tpu.memory_space<smem>>
    memref.store %add3A_37, %arg7[%swap3A_38] : memref<1xf32, #tpu.memory_space<smem>>
    %eq3A_40 = arith.constant 2 : i32
    %eq3A_41 = arith.cmpi eq, %arg0, %eq3A_40 : i32
    %convert_element_type3A_42 = arith.extui %eq3A_41 : i1 to i32
    %cond3A_43 = arith.constant 0 : i32
    %cond3A_44 = arith.cmpi ne, %convert_element_type3A_42, %cond3A_43 : i32
    scf.if %cond3A_44 {
      %get3A_45 = arith.constant 0 : index
      %get3A_46 = arith.constant 0 : index
      %get3A_47 = vector.load %arg3[%get3A_45, %get3A_46] : memref<100x128xf32, #tpu.memory_space<vmem>>, vector<100x128xf32>
      %mul3A_48 = arith.mulf %get3A_47, %get3A_47 : vector<100x128xf32>
      %reduce_sum3A_49 = arith.constant dense<0.000000e+00> : vector<100xf32>
      %reduce_sum3A_50 = vector.multi_reduction <add>, %mul3A_48, %reduce_sum3A_49 [1] : vector<100x128xf32> to vector<100xf32>
      %broadcast_in_dim3A_51 = vector.shape_cast %reduce_sum3A_50 : vector<100xf32> to vector<100x1xf32>
      %get3A_52 = arith.constant 0 : index
      %get3A_53 = memref.load %arg7[%get3A_52] : memref<1xf32, #tpu.memory_space<smem>>
      %get3A_54 = arith.constant 0 : index
      %get3A_55 = arith.constant 0 : index
      %get3A_56 = vector.load %arg5[%get3A_54, %get3A_55] : memref<100x128xf32, #tpu.memory_space<vmem>>, vector<100x128xf32>
      %mul3A_57 = arith.mulf %get3A_56, %get3A_47 : vector<100x128xf32>
      %reduce_sum3A_58 = vector.shape_cast %mul3A_57 : vector<100x128xf32> to vector<1x100x128xf32>
      %reduce_sum3A_59 = arith.constant dense<0.000000e+00> : vector<1xf32>
      %reduce_sum3A_60 = vector.multi_reduction <add>, %reduce_sum3A_58, %reduce_sum3A_59 [1, 2] : vector<1x100x128xf32> to vector<1xf32>
      %reduce_sum3A_61 = vector.shape_cast %reduce_sum3A_60 : vector<1xf32> to vector<1x1x1xf32>
      %reduce_sum3A_62 = vector.extract %reduce_sum3A_61[0, 0, 0] : f32 from vector<1x1x1xf32>
      %mul3A_63 = arith.constant 2.000000e+00 : f32
      %mul3A_64 = arith.mulf %mul3A_63, %reduce_sum3A_62 : f32
      %sub3A = arith.subf %get3A_53, %mul3A_64 : f32
      %get3A_65 = arith.constant 0 : index
      %get3A_66 = arith.constant 0 : index
      %get3A_67 = vector.load %arg6[%get3A_65, %get3A_66] : memref<100x1xf32, #tpu.memory_space<vmem>>, vector<100x1xf32>
      %mul3A_68 = arith.mulf %get3A_67, %broadcast_in_dim3A_51 : vector<100x1xf32>
      %reduce_sum3A_69 = vector.shape_cast %mul3A_68 : vector<100x1xf32> to vector<1x100x1xf32>
      %reduce_sum3A_70 = arith.constant dense<0.000000e+00> : vector<1xf32>
      %reduce_sum3A_71 = vector.multi_reduction <add>, %reduce_sum3A_69, %reduce_sum3A_70 [1, 2] : vector<1x100x1xf32> to vector<1xf32>
      %reduce_sum3A_72 = vector.shape_cast %reduce_sum3A_71 : vector<1xf32> to vector<1x1x1xf32>
      %reduce_sum3A_73 = vector.extract %reduce_sum3A_72[0, 0, 0] : f32 from vector<1x1x1xf32>
      %add3A_74 = arith.addf %sub3A, %reduce_sum3A_73 : f32
      %dot_general3A_75 = arith.constant dense<0.000000e+00> : vector<100x100xf32>
      %dot_general3A_76 = tpu.matmul %get3A_47, %get3A_47, %dot_general3A_75 {dimension_numbers = #tpu.dot_dimension_numbers<[1], [1], [0], [0], [0, 0, 1, 0], [], []>, precision = #tpu.contract_precision<fp32>, transpose_lhs_hint = false} : vector<100x128xf32>, vector<100x128xf32>, vector<100x100xf32> -> vector<100x100xf32>
      %iota3A_77 = tpu.iota {dimensions = array<i32: 0>} : vector<100x100xi32>
      %iota3A_78 = tpu.iota {dimensions = array<i32: 1>} : vector<100x100xi32>
      %eq3A_79 = arith.cmpi eq, %iota3A_77, %iota3A_78 : vector<100x100xi32>
      %jit3A_80 = arith.constant 1.000000e+00 : f32
      %jit3A_81 = arith.constant 0.000000e+00 : f32
      %broadcast_in_dim3A_82 = vector.broadcast %jit3A_80 : f32 to vector<100x100xf32>
      %broadcast_in_dim3A_83 = vector.broadcast %jit3A_81 : f32 to vector<100x100xf32>
      %select_n3A_84 = arith.select %eq3A_79, %broadcast_in_dim3A_82, %broadcast_in_dim3A_83 : vector<100x100xi1>, vector<100x100xf32>
      %mul3A_85 = arith.mulf %dot_general3A_76, %select_n3A_84 : vector<100x100xf32>
      %reduce_sum3A_86 = arith.constant dense<0.000000e+00> : vector<100xf32>
      %reduce_sum3A_87 = vector.multi_reduction <add>, %mul3A_85, %reduce_sum3A_86 [1] : vector<100x100xf32> to vector<100xf32>
      %broadcast_in_dim3A_88 = vector.shape_cast %reduce_sum3A_87 : vector<100xf32> to vector<100x1xf32>
      %mul3A_89 = arith.mulf %dot_general3A_76, %select_n3A_84 : vector<100x100xf32>
      %reduce_sum3A_90 = arith.constant dense<0.000000e+00> : vector<100xf32>
      %reduce_sum3A_91 = vector.multi_reduction <add>, %mul3A_89, %reduce_sum3A_90 [0] : vector<100x100xf32> to vector<100xf32>
      %broadcast_in_dim3A_92 = vector.shape_cast %reduce_sum3A_91 : vector<100xf32> to vector<1x100xf32>
      %reduce_sum3A_93 = arith.constant dense<0.000000e+00> : vector<100xf32>
      %reduce_sum3A_94 = vector.multi_reduction <add>, %get3A_47, %reduce_sum3A_93 [1] : vector<100x128xf32> to vector<100xf32>
      %broadcast_in_dim3A_95 = vector.shape_cast %reduce_sum3A_94 : vector<100xf32> to vector<100x1xf32>
      %mul3A_96 = vector.broadcast %broadcast_in_dim3A_95 : vector<100x1xf32> to vector<100x100xf32>
      %mul3A_97 = arith.mulf %select_n3A_84, %mul3A_96 : vector<100x100xf32>
      %reduce_sum3A_98 = arith.constant dense<0.000000e+00> : vector<100xf32>
      %reduce_sum3A_99 = vector.multi_reduction <add>, %mul3A_97, %reduce_sum3A_98 [0] : vector<100x100xf32> to vector<100xf32>
      %broadcast_in_dim3A_100 = vector.shape_cast %reduce_sum3A_99 : vector<100xf32> to vector<1x100xf32>
      %add3A_101 = vector.broadcast %broadcast_in_dim3A_88 : vector<100x1xf32> to vector<100x100xf32>
      %add3A_102 = vector.broadcast %broadcast_in_dim3A_92 : vector<1x100xf32> to vector<100x100xf32>
      %add3A_103 = arith.addf %add3A_101, %add3A_102 : vector<100x100xf32>
      %mul3A_104 = arith.constant 2.000000e+00 : f32
      %mul3A_105 = vector.broadcast %mul3A_104 : f32 to vector<100x100xf32>
      %mul3A_106 = arith.mulf %mul3A_105, %dot_general3A_76 : vector<100x100xf32>
      %sub3A_107 = arith.subf %add3A_103, %mul3A_106 : vector<100x100xf32>
      %sub3A_108 = vector.broadcast %broadcast_in_dim3A_95 : vector<100x1xf32> to vector<100x100xf32>
      %sub3A_109 = vector.broadcast %broadcast_in_dim3A_100 : vector<1x100xf32> to vector<100x100xf32>
      %sub3A_110 = arith.subf %sub3A_108, %sub3A_109 : vector<100x100xf32>
      %mul3A_111 = arith.constant 2.000000e-06 : f32
      %mul3A_112 = vector.broadcast %mul3A_111 : f32 to vector<100x100xf32>
      %mul3A_113 = arith.mulf %mul3A_112, %sub3A_110 : vector<100x100xf32>
      %add3A_114 = arith.addf %sub3A_107, %mul3A_113 : vector<100x100xf32>
      %add3A_115 = arith.constant 1.280000e-10 : f32
      %add3A_116 = vector.broadcast %add3A_115 : f32 to vector<100x100xf32>
      %add3A_117 = arith.addf %add3A_114, %add3A_116 : vector<100x100xf32>
      %max3A = arith.constant 0.000000e+00 : f32
      %max3A_118 = vector.broadcast %max3A : f32 to vector<100x100xf32>
      %max3A_119 = arith.maximumf %add3A_117, %max3A_118 : vector<100x100xf32>
      %sqrt3A = math.sqrt %max3A_119 : vector<100x100xf32>
      %sub3A_120 = arith.constant 1.000000e+00 : f32
      %sub3A_121 = vector.broadcast %sub3A_120 : f32 to vector<100x100xf32>
      %sub3A_122 = arith.subf %sub3A_121, %select_n3A_84 : vector<100x100xf32>
      %mul3A_123 = arith.mulf %sqrt3A, %sub3A_122 : vector<100x100xf32>
      %reduce_sum3A_124 = vector.shape_cast %mul3A_123 : vector<100x100xf32> to vector<1x100x100xf32>
      %reduce_sum3A_125 = arith.constant dense<0.000000e+00> : vector<1xf32>
      %reduce_sum3A_126 = vector.multi_reduction <add>, %reduce_sum3A_124, %reduce_sum3A_125 [1, 2] : vector<1x100x100xf32> to vector<1xf32>
      %reduce_sum3A_127 = vector.shape_cast %reduce_sum3A_126 : vector<1xf32> to vector<1x1x1xf32>
      %reduce_sum3A_128 = vector.extract %reduce_sum3A_127[0, 0, 0] : f32 from vector<1x1x1xf32>
      %stack3A = vector.broadcast %add3A_74 : f32 to vector<1xf32>
      %stack3A_129 = vector.broadcast %reduce_sum3A_128 : f32 to vector<1xf32>
      %stack3A_130 = tpu.concatenate %stack3A, %stack3A_129 in 0 : vector<1xf32>, vector<1xf32> -> vector<2xf32>
      %reshape3A = vector.shape_cast %stack3A_130 : vector<2xf32> to vector<1x2xf32>
      %swap3A_131 = arith.constant 0 : index
      %swap3A_132 = arith.constant 0 : index
      %swap3A_133 = vector.load %arg4[%swap3A_131, %swap3A_132] : memref<1x2xf32, #tpu.memory_space<vmem>>, vector<1x2xf32>
      tpu.vector_store %arg4[%swap3A_131, %swap3A_132], %reshape3A {strides = array<i32>} : memref<1x2xf32, #tpu.memory_space<vmem>>, vector<1x2xf32>,
    } else {
    }
    return
  }
  func.func @transform_0(%arg0: i32) -> (i32, i32) {
    %add3A = arith.constant 1 : i32
    %add3A_0 = arith.addi %arg0, %add3A : i32
    %c0_i32 = arith.constant 0 : i32
    %c0_i32_1 = arith.constant 0 : i32
    return %add3A_0, %c0_i32 : i32, i32
  }
  func.func @transform_1(%arg0: i32) -> (i32, i32, i32) {
    %add3A = arith.constant 1 : i32
    %add3A_0 = arith.addi %arg0, %add3A : i32
    %c0_i32 = arith.constant 0 : i32
    %c0_i32_1 = arith.constant 0 : i32
    %c0_i32_2 = arith.constant 0 : i32
    return %add3A_0, %c0_i32, %c0_i32_1 : i32, i32, i32
  }
  func.func @transform_2(%arg0: i32) -> (i32, i32) {
    %c0_i32 = arith.constant 0 : i32
    %c0_i32_0 = arith.constant 0 : i32
    %c0_i32_1 = arith.constant 0 : i32
    return %c0_i32, %c0_i32_0 : i32, i32
  }
  func.func @transform_3(%arg0: i32) -> (i32, i32) {
    %c0_i32 = arith.constant 0 : i32
    %c0_i32_0 = arith.constant 0 : i32
    %c0_i32_1 = arith.constant 0 : i32
    return %c0_i32, %c0_i32_0 : i32, i32
  }
}

</mosaic_0001>

<sc_bundles>
// kernel: kernel.5.cloned.1.call-start
scs
__scs_entry_jumppad:
0x0: {  	(pc) =	sbr.rel $0x88, $3  }
0x1: {  	(tag) =	ssettag $0x0;
	lr =	simm.s32 $0x1  }
0x2: {  	[smem:$0x3F9E] =	sst lr;
	_ =	strace $0xD0000000  }
0x3: {  	_ = 	snop  }
0x4: {  	_ = 	snop  }
0x5: {  	_ = 	snop  }
0x6: {  	_ = 	snop  }
0x7: {  	_ = 	snop  }
__scs_overlays_trampoline_lowered:
0x8: {  	[smem:$0x3FAD] =	sst s0  }
0x9: {  	[smem:$0x3FAE] =	sst s1  }
0xa: {  	[smem:$0x3FAF] =	sst s2  }
0xb: {  	[smem:$0x3FB0] =	sst s3  }
0xc: {  	[smem:$0x3FB1] =	sst s4  }
0xd: {  	[smem:$0x3FB2] =	sst s5  }
0xe: {  	[smem:$0x3FB3] =	sst s6  }
0xf: {  	[smem:$0x3FB4] =	sst s7  }
0x10: {  	[smem:$0x3FB5] =	sst s8  }
0x11: {  	[smem:$0x3FB6] =	sst s9;
	s0 =	simm.s32 @!p0 $0x0  }
0x12: {  	s1 =	sld [smem:$0x3F9C];
	s0 =	simm.s32 @p0 $0x1  }
0x13: {  	[smem:$0x3FB7] =	sst s0;
	s0 =	simm.s32 @!p1 $0x0  }
0x14: {  	s2 =	sld [smem:$0x3F9B];
	s0 =	simm.s32 @p1 $0x1  }
0x15: {  	[smem:$0x3FB8] =	sst s0;
	s0 =	simm.s32 @!p2 $0x0  }
0x16: {  	s3 =	sld [smem:$0x3FDB];
	s0 =	simm.s32 @p2 $0x1  }
0x17: {  	s4 =	simm.s32 $0x1BF5;
	[smem:$0x3FBA] =	sst s0  }
0x18: {  	s0 =	sld [smem:$0x3F9D];
	_ =	swait.ge [sflag:s4], $0x0  }
0x19: {  	s7 =	sld [smem:$0x3F9E]  }
0x1a: {  	s8 =	sadd.s32 $0xFFFFE003, lr  }
0x1b: {  	s9 =	sadd.s32 $0xFFFFFEF7, lr;
	s5 =	simm.s32 $0xFFFFFFFF;
	p2 =	slt.u32 s8, $0xFFFFF086  }
0x1c: {  	p1 =	slt.u32 s9, $0xF7A;
	s5 =	simm.s32 @!p2 $0x0  }
0x1d: {  	s5 =	simm.s32 @p1 $0x1;
	p0 =	seq.s32 s7, s2  }
0x1e: {  	s7 =	smul.u32 @!p0 $0xF7A, s2;
	p2 =	seq.s32 @!p0 s5, $0x0  }
0x1f: {  	s9 =	smul.u32 $0xF7A, s1;
	s8 =	simm.s32 @!p0 $0x1BF5;
	p2 =	por !p2, p0  }
0x20: {  	[sflag:s8] =	ssyncset.s32 @!p0 $0xFFFFF086;
	s6 =	sadd.s32 @!p0 s3, s7;
	s7 =	simm.s32 @!p0 $0x108  }
0x21: {  	s3 =	sadd.s32 s3, s9;
	s6 =	sadd.s32 @!p0 $0x88, s6;
	s7 =	simm.s32 @p2 $0x1082  }
0x22: {  	[simem:s7], [sflag:s8] =	dma.local @!p0 [hbm:s6], $0xF7A  }
0x23: {  	s9 =	sor.u32 $0xD0000000, s2;
	s6 =	simm.s32 $0x108;
	_ =	swait.ge @!p0 [sflag:s8], $0x0  }
0x24: {  	s3 =	sadd.s32 $0x88, s3;
	s6 =	simm.s32 @!p1 $0x1082;
	[sflag:s4] =	ssyncset.s32 $0xFFFFF086  }
0x25: {  	[simem:s6], [sflag:s4] =	dma.local [hbm:s3], $0xF7A  }
0x26: {  	[smem:$0x3F9E] =	sst s1;
	(tag) =	ssettag s2;
	_ =	strace s9  }
0x27: {  	s1 =	sld [smem:$0x3FAE]  }
0x28: {  	s2 =	sld [smem:$0x3FAF]  }
0x29: {  	s4 =	sld [smem:$0x3FB1]  }
0x2a: {  	p0 =	seq.s32 s5, $0x0;
	s5 =	sld [smem:$0x3FB2]  }
0x2b: {  	s6 =	sld [smem:$0x3FB3]  }
0x2c: {  	s7 =	sld [smem:$0x3FB4]  }
0x2d: {  	s3 =	simm.s32 $0x108;
	s8 =	sld [smem:$0x3FB5]  }
0x2e: {  	s3 =	simm.s32 @!p0 $0x1082;
	s9 =	sld [smem:$0x3FB6]  }
0x2f: {  	lr =	sadd.s32 s0, s3;
	s0 =	sld [smem:$0x3FAD]  }
0x30: {  	s3 =	sld [smem:$0x3FB0]  }
0x31: {  	[smem:$0x3FB9] =	sst s10  }
0x32: {  	s10 =	sld [smem:$0x3FB7];
	_ =	sdelay $0x3  }
0x33: {  	p0 =	seq.s32 s10, $0x1;
	s10 =	sld [smem:$0x3FB9];
	_ =	sdelay $0x3  }
0x34: {  	[smem:$0x3FB9] =	sst s10  }
0x35: {  	s10 =	sld [smem:$0x3FB8];
	_ =	sdelay $0x3  }
0x36: {  	p1 =	seq.s32 s10, $0x1;
	s10 =	sld [smem:$0x3FB9];
	_ =	sdelay $0x3  }
0x37: {  	[smem:$0x3FB9] =	sst s10  }
0x38: {  	s10 =	sld [smem:$0x3FBA]  }
0x39: {  	_ = 	snop;
	(pc) =	sbr.ind lr, $3  }
0x3a: {  	_ = 	snop  }
0x3b: {  	_ = 	snop  }
0x3c: {  	p2 =	seq.s32 s10, $0x1;
	s10 =	sld [smem:$0x3FB9]  }
0x3d: {  	_ =	shalt  }
0x3e: {  	_ =	shalt  }
0x3f: {  	_ =	shalt  }
0x40: {  	_ =	shalt  }
0x41: {  	_ =	shalt  }
0x42: {  	_ =	shalt  }
0x43: {  	_ =	shalt  }
0x44: {  	_ =	shalt  }
0x45: {  	_ =	shalt  }
0x46: {  	_ =	shalt  }
0x47: {  	_ =	shalt  }
0x48: {  	_ =	shalt  }
0x49: {  	_ =	shalt  }
0x4a: {  	_ =	shalt  }
0x4b: {  	_ =	shalt  }
0x4c: {  	_ =	shalt  }
0x4d: {  	_ =	shalt  }
0x4e: {  	_ =	shalt  }
0x4f: {  	_ =	shalt  }
0x50: {  	_ =	shalt  }
0x51: {  	_ =	shalt  }
0x52: {  	_ =	shalt  }
0x53: {  	_ =	shalt  }
0x54: {  	_ =	shalt  }
0x55: {  	_ =	shalt  }
0x56: {  	_ =	shalt  }
0x57: {  	_ =	shalt  }
0x58: {  	_ =	shalt  }
0x59: {  	_ =	shalt  }
0x5a: {  	_ =	shalt  }
0x5b: {  	_ =	shalt  }
0x5c: {  	_ =	shalt  }
0x5d: {  	_ =	shalt  }
0x5e: {  	_ =	shalt  }
0x5f: {  	_ =	shalt  }
0x60: {  	_ =	shalt  }
0x61: {  	_ =	shalt  }
0x62: {  	_ =	shalt  }
0x63: {  	_ =	shalt  }
0x64: {  	_ =	shalt  }
0x65: {  	_ =	shalt  }
0x66: {  	_ =	shalt  }
0x67: {  	_ =	shalt  }
0x68: {  	_ =	shalt  }
0x69: {  	_ =	shalt  }
0x6a: {  	_ =	shalt  }
0x6b: {  	_ =	shalt  }
0x6c: {  	_ =	shalt  }
0x6d: {  	_ =	shalt  }
0x6e: {  	_ =	shalt  }
0x6f: {  	_ =	shalt  }
0x70: {  	_ =	shalt  }
0x71: {  	_ =	shalt  }
0x72: {  	_ =	shalt  }
0x73: {  	_ =	shalt  }
0x74: {  	_ =	shalt  }
0x75: {  	_ =	shalt  }
0x76: {  	_ =	shalt  }
0x77: {  	_ =	shalt  }
0x78: {  	_ =	shalt  }
0x79: {  	_ =	shalt  }
0x7a: {  	_ =	shalt  }
0x7b: {  	_ =	shalt  }
0x7c: {  	_ =	shalt  }
0x7d: {  	_ =	shalt  }
0x7e: {  	_ =	shalt  }
0x7f: {  	_ =	shalt  }
0x80: {  	_ =	shalt  }
0x81: {  	_ =	shalt  }
0x82: {  	_ =	shalt  }
0x83: {  	_ =	shalt  }
0x84: {  	_ =	shalt  }
0x85: {  	_ =	shalt  }
0x86: {  	_ =	shalt  }
0x87: {  	_ =	shalt  }
.Lfunc_end0:
.L_simem_size_0:
called_computation_lowered:
.L_overlay_start_0:
0x88: {  	s2 =	sld [smem:$0x3FD9]  }
0x89: {  	s3 =	sld [smem:$0x3FFE];
	_ =	sdelay $0x1  }
0x8a: {  	s1 =	srdreg.scid  }
0x8b: {  	s0 =	sand.u32 $0x1, s1  }
0x8c: {  	s17 =	sshll.u32 s0, $0xA;
	s2 =	sadd.s32 s3, s2  }
0x8d: {  	s2 =	sadd.s32 s2, s17  }
0x8e: {  	[smem:$0x3FC5] =	sst s2  }
0x8f: {  	_ = 	snop  }
0x90: {  	s2 =	sld [smem:$0x3FC9]  }
0x91: {  	s18 =	sld [smem:$0x3FC8]  }
0x92: {  	s4 =	sld [smem:$0x3FC7];
	(tm) =	ssettm $0x1  }
0x93: {  	s5 =	sld [smem:$0x3FFB];
	_ =	sdelay $0x3  }
0x94: {  	_ =	strace s5  }
0x95: {  	s5 =	sld [smem:$0x3FFC];
	_ =	sdelay $0x3  }
0x96: {  	_ =	strace s5  }
0x97: {  	s5 =	sld [smem:$0x3FFD];
	_ =	sdelay $0x3  }
0x98: {  	_ =	strace s5  }
0x99: {  	_ =	strace $0x8FFFFFFF  }
0x9a: {  	s19 =	sld [smem:$0x3FDB];
	_ =	sdelay $0x1  }
0x9b: {  	s6 =	simm.s32 $_scs_section_size  }
0x9c: {  	s7 =	simm.s32 $_size__tile_overlayer_lowered;
	s8 =	simm.s32 $_tile_overlayer_lowered  }
0x9d: {  	s22 =	simm.s32 $0x1BFF;
	s21 =	sshll.u32 s8, $0x1;
	s5 =	sadd.s32 s6, s19  }
0x9e: {  	s9 =	simm.s32 $0x0;
	s20 =	sshll.u32 s7, $0x1;
	s7 =	sadd.s32 s21, s5  }
0x9f: {  	[timem:s9], [sflag:s22] =	dma.local [hbm:s7], s20  }
0xa0: {  	_ =	swait.ge [sflag:s22], s20  }
0xa1: {  	s6 =	ssub.s32 $0x0, s20;
	[sflag:s22] =	ssyncset.done $0x0  }
0xa2: {  	[sflag:s22] =	ssyncadd.s32 s6;
	_ =	sdelay $0x1  }
0xa3: {  	s23 =	simm.s32 $0x1B8B  }
0xa4: {  	_ =	swait.ge [sflag:s23], $0x1  }
0xa5: {  	[sflag:s23] =	ssyncset.done $0x0  }
0xa6: {  	s25 =	simm.s32 $0x1B8E;
	s24 =	sld [smem:$0x3FFE];
	[sflag:s23] =	ssyncadd.s32 $0xFFFFFFFF  }
0xa7: {  	s26 =	simm.s32 $execute0_lowered;
	[smem:$0x3FD2] =	sst s25  }
0xa8: {  	s7 =	sshll.u32 s26, $0x1;
	_ =	strace $0x80000046;
	[dreg:$0x1] =	wrdreg $0xFFFFFFFF  }
0xa9: {  	s28 =	simm.s32 $_size_execute0_lowered;
	s5 =	sadd.s32 s5, s7;
	[dreg:$0x0] =	wrdreg $0x0  }
0xaa: {  	s7 =	sshll.u32 s28, $0x1;
	[dreg:$0x2] =	wrdreg s5  }
0xab: {  	[dreg:$0x3] =	wrdreg s7  }
0xac: {  	[dreg:$0x4] =	wrdreg $0xC0  }
0xad: {  	_ =	task [dreg:s9], $0x5FFFF  }
0xae: {  	[dreg:$0x1] =	wrdreg $0xFFFFFFFF  }
0xaf: {  	[dreg:$0x0] =	wrdreg $0x60  }
0xb0: {  	[dreg:$0x2] =	wrdreg s2  }
0xb1: {  	[dreg:$0x3] =	wrdreg s18  }
0xb2: {  	[dreg:$0x4] =	wrdreg s4  }
0xb3: {  	[dreg:$0x5] =	wrdreg s24  }
0xb4: {  	[dreg:$0x6] =	wrdreg $0x34800  }
0xb5: {  	[dreg:$0x7] =	wrdreg $0x9  }
0xb6: {  	_ =	task.clear_ibuf [dreg:s9], $0x8FFFF;
	_ =	strace $0x90000046  }
0xb7: {  	s29 =	simm.s32 $0x9;
	_ =	strace $0x80000048  }
0xb8: {  	_ =	swait.ge [sflag:s29], $0x1  }
0xb9: {  	[sflag:s29] =	ssyncadd.s32 $0xFFFFFFFF  }
0xba: {  	_ =	strace $0x90000048  }
0xbb: {  	_ =	sfence  }
0xbc: {  	s30 =	sld [smem:$0x0];
	_ =	sdelay $0x2  }
0xbd: {  	s31 =	sshll.u32 s1, $0xD;
	s1 =	sshrl.u32 s1, $0x2  }
0xbe: {  	s3 =	sand.u32 $0x4000, s31;
	s1 =	sadd.s32 s1, s30  }
0xbf: {  	s0 =	sor.u32 s3, s0;
	s1 =	sshll.u32 s1, $0x11  }
0xc0: {  	s0 =	sor.u32 s1, s0  }
0xc1: {  	s0 =	sadd.s32 $0x8F2B, s0  }
0xc2: {  	[sflag:s0] =	ssyncadd.remote.s32 $0x1  }
0xc3: {  	_ =	sfence.sel $0xFFFF  }
0xc4: {  	[dreg:$0x0] =	wrdreg $0xFFFFFFFF;
	(pc) =	sbr.abs _section_cstart, $3  }
0xc5: {  	[dreg:$0x1] =	wrdreg $0xFFFFFFFF  }
0xc6: {  	_ =	task.clear_ibuf [dreg:s9], $0x2FFFF;
	_ =	strace $0x9FFFFFFF  }
0xc7: {  	(tm) =	ssettm $0x7FFFFFFF  }
tec
execute0_lowered:
.L_overlay_start_1:
0x0: {  	(tag) =	ssettag $0x1  }
0x1: {  	s4 =	rddreg [dreg:$0x0]  }
0x2: {  	s5 =	rddreg [dreg:$0x1]  }
0x3: {  	s1 =	rddreg [dreg:$0x2]  }
0x4: {  	s6 =	rddreg [dreg:$0x3]  }
0x5: {  	s2 =	rddreg [dreg:$0x4]  }
0x6: {  	s0 =	rddreg [dreg:$0x5]  }
0x7: {  	s7 =	srdreg.scid;
	s8 =	stileid.u32  }
0x8: {  	s3 =	simm.s32 $0x0;
	s12 =	simm.s32 $0x1;
	s13 =	simm.s32 $0x77A0  }
0x9: {  	s14 =	simm.s32 $0x0;
	s7 =	sand.u32 $0x1, s7;
	s9 =	sshll.u32 s8, $0x1  }
0xa: {  	[smem:$0x7FF] =	sst s3;
	p0 =	sne.s32 s8, $0x0;
	s8 =	simm.s32 $0x37A0  }
0xb: {  	s9 =	sor.u32 s7, s9;
	s7 =	ssub.s32 $0x2, s7;
	_ =	strace $0x80000047  }
0xc: {  	v0 =	vlaneseq.u32;
	s10 =	sshll.u32 s9, $0x4;
	s11 =	sshrl.u32 s7, $0x1;
	s9 =	sshll.u32 s9, $0xB  }
0xd: {  	v1 =	vor.u32 $0x10, v0;
	s6 =	sadd.s32 s10, s6;
	s7 =	ssub.s32 s7, s11;
	s4 =	sadd.s32 s4, s9  }
0xe: {  	v2 =	vor.u32 $0x20, v0;
	v3 =	vor.u32 $0x30, v0;
	v4 =	vor.u32 $0x40, v0;
	s5 =	sadd.s32 s5, s10;
	s9 =	sshrl.u32 @!p0 s2, $0x3;
	s10 =	simm.s32 $0x80  }
0xf: {  	v5 =	vor.u32 $0x50, v0;
	v6 =	vor.u32 $0x60, v0;
	v7 =	vor.u32 $0x70, v0;
	s11 =	simm.s32 $0x2;
	s6 =	sadd.s32 $0xC00, s6;
	s7 =	smax.u32 s7, $0x1  }
.LBB2_1:
0x10: {  	[tilespmem:s8], [sflag:$0x1] =	stream.linear.gather [hbm4b:s4+s3], $0x4000, $0x38;
	[tilespmem:$0x7820] =	vst v63  }
0x11: {  	s15 =	simm.s32 @!p0 $0x1C02  }
0x12: {  	[spmem:s9], [sflag:s15] =	dma.local @!p0 [hbm:s1], $0x640  }
0x13: {  	s15 =	simm.s32 @!p0 $0x2  }
0x14: {  	_ =	swait.ge @!p0 [sflag:s15], $0x640  }
0x15: {  	[sflag:s15] =	ssyncset.done @!p0 $0x0  }
0x16: {  	[sflag:s15] =	ssyncadd.s32 @!p0 $0xFFFFF9C0  }
0x17: {  	[bflag:$0x0] =	sbarrier.arrive $0xFFFF  }
0x18: {  	[tilespmem:s10], [sflag:$0x2] =	stream.linear.gather [spmem:s2], $0x3200, $0x38;
	[tilespmem:$0x7820] =	vst v63  }
0x19: {  	_ =	swait.ge [sflag:s11], $0x3200  }
0x1a: {  	[sflag:s11] =	ssyncset.done $0x0  }
0x1b: {  	v8 =	vmov s3;
	[sflag:s11] =	ssyncadd.s32 $0xFFFFCE00  }
0x1c: {  	v8 =	vand.u32 $0xFFFFFFFE, v8;
	[tilespmem:s3], [sflag:$0x2] =	stream.linear.gather [hbm4b:s5+s3], $0x80, $0x38;
	[tilespmem:$0x7820] =	vst v63  }
0x1d: {  	v8 =	vbroadcast v8, $0x0;
	_ =	swait.ge [sflag:s11], $0x80  }
0x1e: {  	[sflag:s11] =	ssyncset.done $0x0  }
0x1f: {  	[sflag:s11] =	ssyncadd.s32 $0xFFFFFF80  }
0x20: {  	_ =	swait.ge [sflag:s12], $0x4000  }
0x21: {  	[sflag:s12] =	ssyncset.done $0x0  }
0x22: {  	[sflag:s12] =	ssyncadd.s32 $0xFFFFC000  }
0x23: {  	v8 =	vld.idx.msk [tilespmem:v8+s3+$0x0], $0xffff;
	_ =	sdelay $0x4  }
0x24: {  	v9 =	vshll.u32 v8, $0x7  }
0x25: {  	s16 =	simm.s32 $0x1;
	v10 =	vor.u32 v0, v9  }
0x26: {  	v12 =	vmov s16  }
0x27: {  	s15 =	simm.s32 $0x3820  }
0x28: {  	v13 =	vld [tilespmem:s15+$0xFFFFFF90];
	v11 =	vor.u32 v1, v9  }
0x29: {  	v15 =	vld [tilespmem:s15+$0xFFFFFF80];
	v14 =	vor.u32 v2, v9  }
0x2a: {  	v16 =	vor.u32 v3, v9;
	v10 =	vld.idx.msk [tilespmem:v10+s10+$0x0], $0xffff  }
0x2b: {  	v12 =	vld.idx.msk [tilespmem:v12+s3+$0x0], $0xffff  }
0x2c: {  	v18 =	vld [tilespmem:s15+$0xFFFFFFA0]  }
0x2d: {  	v11 =	vld.idx.msk [tilespmem:v11+s10+$0x0], $0xffff  }
0x2e: {  	v17 =	vor.u32 v4, v9;
	v14 =	vld.idx.msk [tilespmem:v14+s10+$0x0], $0xffff  }
0x2f: {  	v10 =	vsub.f32 v15, v10;
	v15 =	vld.idx.msk [tilespmem:v16+s10+$0x0], $0xffff  }
0x30: {  	v19 =	vor.u32 v5, v9;
	v16 =	vld [tilespmem:s15+$0xFFFFFFB0]  }
0x31: {  	v21 =	vld [tilespmem:s15+$0xFFFFFFC0]  }
0x32: {  	v8 =	vld [tilespmem:s15+$0x20];
	v20 =	vor.u32 v6, v9;
	v11 =	vsub.f32 v13, v11;
	v10 =	vmul.f32 v10, v10  }
0x33: {  	v22 =	vor.u32 v7, v9;
	v9 =	vshll.u32 v12, $0x7;
	v13 =	vld.idx.msk [tilespmem:v17+s10+$0x0], $0xffff;
	v17 =	vimm.f32 $0.0e+00  }
0x34: {  	v12 =	vld [tilespmem:s15+$0xFFFFFFD0];
	v14 =	vsub.f32 v18, v14;
	v11 =	vmul.f32 v11, v11;
	v17 =	vadd.f32 v10, v17  }
0x35: {  	s16 =	simm.s32 $0x2;
	v10 =	vld.idx.msk [tilespmem:v19+s10+$0x0], $0xffff;
	v24 =	vsub.f32 v16, v15;
	v16 =	vor.u32 v0, v9  }
0x36: {  	v18 =	vmov s16;
	v23 =	vmul.f32 v14, v14;
	v14 =	vld [tilespmem:s15+$0xFFFFFFE0];
	v19 =	vadd.f32 v11, v17  }
0x37: {  	v15 =	vor.u32 v1, v9;
	v11 =	vld.idx.msk [tilespmem:v20+s10+$0x0], $0xffff;
	v17 =	vand.u32 $0xFFFFFFFE, v18  }
0x38: {  	s17 =	simm.s32 $0x4;
	v20 =	vsub.f32 v21, v13;
	v13 =	vld.idx.msk [tilespmem:v22+s10+$0x0], $0xffff;
	v18 =	vadd.f32 v23, v19;
	v19 =	vmul.f32 v24, v24  }
.LBB2_2:
0x39: {  	p1 =	slt.u32 s17, $0x7E;
	v17 =	vbroadcast v17, $0x0;
	v21 =	vld [tilespmem:s15+$0xFFFFFFF0];
	v22 =	vor.u32 v2, v9  }
0x3a: {  	v18 =	vadd.f32 v19, v18;
	v19 =	vmul.f32 v20, v20;
	v10 =	vsub.f32 v12, v10;
	v12 =	vld.idx.msk [tilespmem:v16+s10+$0x0], $0xffff  }
0x3b: {  	v20 =	vor.u32 v3, v9;
	v16 =	vld [tilespmem:s15+$0x0]  }
0x3c: {  	v18 =	vadd.f32 v19, v18;
	v10 =	vmul.f32 v10, v10;
	v11 =	vsub.f32 v14, v11;
	v14 =	vld.idx.msk [tilespmem:v15+s10+$0x0], $0xffff  }
0x3d: {  	v19 =	vor.u32 v4, v9;
	v15 =	vld [tilespmem:s15+$0x10]  }
0x3e: {  	v10 =	vadd.f32 v10, v18;
	v11 =	vmul.f32 v11, v11;
	v13 =	vsub.f32 v21, v13;
	v18 =	vld.idx.msk [tilespmem:v22+s10+$0x0], $0xffff  }
0x3f: {  	v21 =	vor.u32 v5, v9;
	v17 =	vld.idx.msk [tilespmem:v17+s3+$0x0], $0xffff  }
0x40: {  	v10 =	vadd.f32 v11, v10;
	v11 =	vmul.f32 v13, v13;
	v12 =	vsub.f32 v16, v12;
	v13 =	vld.idx.msk [tilespmem:v20+s10+$0x0], $0xffff  }
0x41: {  	v20 =	vor.u32 v6, v9;
	v16 =	vld [tilespmem:s15+$0x30]  }
0x42: {  	v10 =	vadd.f32 v11, v10;
	v11 =	vmul.f32 v12, v12;
	v12 =	vsub.f32 v15, v14;
	v14 =	vld.idx.msk [tilespmem:v19+s10+$0x0], $0xffff  }
0x43: {  	v9 =	vor.u32 v7, v9;
	v15 =	vld [tilespmem:s15+$0x40]  }
0x44: {  	v8 =	vsub.f32 v8, v18;
	v10 =	vadd.f32 v11, v10;
	v11 =	vmul.f32 v12, v12;
	v12 =	vld.idx.msk [tilespmem:v21+s10+$0x0], $0xffff  }
0x45: {  	v17 =	vshll.u32 v17, $0x7;
	v18 =	vld [tilespmem:s15+$0x50]  }
0x46: {  	v8 =	vmul.f32 v8, v8;
	v10 =	vadd.f32 v11, v10;
	v11 =	vsub.f32 v16, v13;
	v13 =	vld.idx.msk [tilespmem:v20+s10+$0x0], $0xffff  }
0x47: {  	v16 =	vor.u32 v0, v17;
	v19 =	vld [tilespmem:s15+$0x60]  }
0x48: {  	s18 =	sadd.s32 $0x1, s16;
	s16 =	smov.u32 s17;
	v10 =	vadd.f32 v8, v10;
	v11 =	vmul.f32 v11, v11;
	v14 =	vsub.f32 v15, v14;
	v9 =	vld.idx.msk [tilespmem:v9+s10+$0x0], $0xffff  }
0x49: {  	v20 =	vmov s18;
	v15 =	vor.u32 v1, v17;
	v21 =	vld [tilespmem:s15+$0x70];
	s15 =	sadd.s32 $0x100, s15  }
0x4a: {  	v8 =	vld [tilespmem:s15+$0x20];
	v10 =	vadd.f32 v11, v10;
	v11 =	vmul.f32 v14, v14;
	v12 =	vsub.f32 v18, v12  }
0x4b: {  	v18 =	vor.u32 v2, v17;
	v14 =	vld [tilespmem:s15+$0xFFFFFF90]  }
0x4c: {  	v16 =	vld.idx.msk [tilespmem:v16+s10+$0x0], $0xffff;
	v10 =	vadd.f32 v11, v10;
	v11 =	vmul.f32 v12, v12;
	v12 =	vsub.f32 v19, v13  }
0x4d: {  	v19 =	vor.u32 v3, v17;
	v13 =	vld [tilespmem:s15+$0xFFFFFF80]  }
0x4e: {  	v15 =	vld.idx.msk [tilespmem:v15+s10+$0x0], $0xffff;
	v10 =	vadd.f32 v11, v10;
	v11 =	vmul.f32 v12, v12;
	v9 =	vsub.f32 v21, v9  }
0x4f: {  	v12 =	vor.u32 v4, v17;
	v20 =	vld.idx.msk [tilespmem:v20+s3+$0x0], $0xffff  }
0x50: {  	v18 =	vld.idx.msk [tilespmem:v18+s10+$0x0], $0xffff;
	v10 =	vadd.f32 v11, v10;
	v9 =	vmul.f32 v9, v9  }
0x51: {  	v21 =	vor.u32 v5, v17;
	v11 =	vld [tilespmem:s15+$0xFFFFFFA0]  }
0x52: {  	v13 =	vsub.f32 v13, v16;
	v19 =	vld.idx.msk [tilespmem:v19+s10+$0x0], $0xffff;
	v10 =	vadd.f32 v9, v10  }
0x53: {  	v23 =	vor.u32 v6, v17;
	v22 =	vld [tilespmem:s15+$0xFFFFFFB0]  }
0x54: {  	v14 =	vsub.f32 v14, v15;
	v13 =	vmul.f32 v13, v13;
	v24 =	vld.idx.msk [tilespmem:v12+s10+$0x0], $0xffff  }
0x55: {  	v26 =	vor.u32 v7, v17;
	v9 =	vshll.u32 v20, $0x7;
	v25 =	vld [tilespmem:s15+$0xFFFFFFC0]  }
.Ltmp0:
0x56: {  	v14 =	vmul.f32 v14, v14;
	v13 =	vadd.f32 v13, v10;
	v11 =	vsub.f32 v11, v18;
	v10 =	vld.idx.msk [tilespmem:v21+s10+$0x0], $0xffff;
	(pc) =	sbr.rel @p1 .LBB2_2-.Ltmp0, $4  }
0x57: {  	v15 =	vmov s17;
	v16 =	vor.u32 v0, v9;
	v12 =	vld [tilespmem:s15+$0xFFFFFFD0]  }
0x58: {  	v13 =	vadd.f32 v14, v13;
	v18 =	vmul.f32 v11, v11;
	v19 =	vsub.f32 v22, v19;
	v11 =	vld.idx.msk [tilespmem:v23+s10+$0x0], $0xffff  }
0x59: {  	v17 =	vand.u32 $0xFFFFFFFE, v15;
	v15 =	vor.u32 v1, v9;
	v14 =	vld [tilespmem:s15+$0xFFFFFFE0]  }
0x5a: {  	s17 =	sadd.s32 $0x2, s17;
	v18 =	vadd.f32 v18, v13;
	v19 =	vmul.f32 v19, v19;
	v20 =	vsub.f32 v25, v24;
	v13 =	vld.idx.msk [tilespmem:v26+s10+$0x0], $0xffff  }
0x5b: {  	_ =	sdelay $0x2  }
0x5c: {  	v21 =	vld [tilespmem:s15+$0xFFFFFFF0]  }
0x5d: {  	v17 =	vbroadcast v17, $0x0;
	v22 =	vor.u32 v2, v9;
	v43 =	vld.idx.msk [tilespmem:v16+s10+$0x0], $0xffff;
	v45 =	vor.u32 v3, v9  }
0x5e: {  	v44 =	vld [tilespmem:s15+$0x0];
	v18 =	vadd.f32 v19, v18;
	v42 =	vmul.f32 v20, v20;
	v10 =	vsub.f32 v12, v10  }
0x5f: {  	v46 =	vld.idx.msk [tilespmem:v15+s10+$0x0], $0xffff  }
0x60: {  	v47 =	vld [tilespmem:s15+$0x10];
	v18 =	vadd.f32 v42, v18;
	v10 =	vmul.f32 v10, v10;
	v11 =	vsub.f32 v14, v11  }
0x61: {  	v48 =	vor.u32 v4, v9;
	v53 =	vld [tilespmem:s15+$0x30]  }
0x62: {  	v10 =	vadd.f32 v10, v18;
	v11 =	vmul.f32 v11, v11;
	v13 =	vsub.f32 v21, v13;
	v49 =	vld.idx.msk [tilespmem:v22+s10+$0x0], $0xffff  }
0x63: {  	v50 =	vor.u32 v5, v9;
	v52 =	vld.idx.msk [tilespmem:v45+s10+$0x0], $0xffff  }
0x64: {  	v12 =	vsub.f32 v44, v43;
	v17 =	vld.idx.msk [tilespmem:v17+s3+$0x0], $0xffff;
	v10 =	vadd.f32 v11, v10;
	v51 =	vmul.f32 v13, v13  }
0x65: {  	v54 =	vor.u32 v6, v9;
	v58 =	vld [tilespmem:s15+$0x40]  }
0x66: {  	v56 =	vsub.f32 v47, v46;
	v57 =	vld.idx.msk [tilespmem:v48+s10+$0x0], $0xffff;
	v55 =	vmul.f32 v12, v12;
	v10 =	vadd.f32 v51, v10  }
0x67: {  	v59 =	vor.u32 v7, v9;
	v62 =	vld [tilespmem:s15+$0x50]  }
0x68: {  	v61 =	vld.idx.msk [tilespmem:v50+s10+$0x0], $0xffff;
	v60 =	vmul.f32 v56, v56;
	v8 =	vsub.f32 v8, v49;
	v10 =	vadd.f32 v55, v10  }
0x69: {  	v25 =	vld [tilespmem:s15+$0x60];
	v13 =	vsub.f32 v53, v52;
	v17 =	vshll.u32 v17, $0x7  }
0x6a: {  	v63 =	vld.idx.msk [tilespmem:v54+s10+$0x0], $0xffff;
	v8 =	vmul.f32 v8, v8;
	v24 =	vor.u32 v0, v17;
	v10 =	vadd.f32 v60, v10  }
0x6b: {  	v28 =	vld [tilespmem:s15+$0x70];
	v14 =	vsub.f32 v58, v57  }
0x6c: {  	s16 =	sadd.s32 $0x1, s16;
	s31 =	sadd.s32 $0x100, s15;
	v9 =	vld.idx.msk [tilespmem:v59+s10+$0x0], $0xffff;
	v26 =	vor.u32 v1, v17;
	v13 =	vmul.f32 v13, v13;
	v8 =	vadd.f32 v8, v10  }
0x6d: {  	v27 =	vmov s16;
	v29 =	vld [tilespmem:s31+$0xFFFFFF90];
	v12 =	vsub.f32 v62, v61  }
0x6e: {  	v33 =	vld [tilespmem:s31+$0xFFFFFF80];
	v30 =	vor.u32 v2, v17;
	v31 =	vmul.f32 v14, v14;
	v8 =	vadd.f32 v13, v8  }
0x6f: {  	v11 =	vsub.f32 v25, v63;
	v32 =	vld.idx.msk [tilespmem:v24+s10+$0x0], $0xffff  }
0x70: {  	v37 =	vld [tilespmem:s31+$0xFFFFFFA0];
	v34 =	vor.u32 v3, v17;
	v12 =	vmul.f32 v12, v12;
	v8 =	vadd.f32 v31, v8  }
0x71: {  	v9 =	vsub.f32 v28, v9;
	v10 =	vld.idx.msk [tilespmem:v26+s10+$0x0], $0xffff  }
0x72: {  	v15 =	vld.idx.msk [tilespmem:v27+s3+$0x0], $0xffff;
	v35 =	vor.u32 v4, v17;
	v11 =	vmul.f32 v11, v11;
	v8 =	vadd.f32 v12, v8  }
0x73: {  	v38 =	vor.u32 v5, v17;
	v36 =	vld.idx.msk [tilespmem:v30+s10+$0x0], $0xffff  }
0x74: {  	v41 =	vld [tilespmem:s31+$0xFFFFFFB0];
	v9 =	vmul.f32 v9, v9;
	v39 =	vsub.f32 v33, v32;
	v8 =	vadd.f32 v11, v8  }
0x75: {  	v42 =	vor.u32 v6, v17;
	v40 =	vld.idx.msk [tilespmem:v34+s10+$0x0], $0xffff  }
0x76: {  	v45 =	vld [tilespmem:s31+$0xFFFFFFC0];
	v10 =	vsub.f32 v29, v10;
	v43 =	vmul.f32 v39, v39;
	v8 =	vadd.f32 v9, v8  }
0x77: {  	v15 =	vshll.u32 v15, $0x7;
	v17 =	vor.u32 v7, v17;
	v44 =	vld.idx.msk [tilespmem:v35+s10+$0x0], $0xffff  }
0x78: {  	v49 =	vld [tilespmem:s31+$0xFFFFFFD0];
	v47 =	vsub.f32 v37, v36;
	v46 =	vmul.f32 v10, v10;
	v8 =	vadd.f32 v43, v8  }
0x79: {  	v50 =	vor.u32 v0, v15;
	v48 =	vld.idx.msk [tilespmem:v38+s10+$0x0], $0xffff  }
0x7a: {  	v54 =	vld [tilespmem:s31+$0xFFFFFFE0];
	v52 =	vsub.f32 v41, v40;
	v51 =	vmul.f32 v47, v47;
	v8 =	vadd.f32 v46, v8  }
0x7b: {  	v55 =	vor.u32 v1, v15;
	v53 =	vld.idx.msk [tilespmem:v42+s10+$0x0], $0xffff  }
0x7c: {  	v59 =	vld [tilespmem:s31+$0xFFFFFFF0];
	v57 =	vsub.f32 v45, v44;
	v56 =	vmul.f32 v52, v52;
	v8 =	vadd.f32 v51, v8  }
0x7d: {  	v60 =	vor.u32 v2, v15;
	v58 =	vld.idx.msk [tilespmem:v17+s10+$0x0], $0xffff  }
0x7e: {  	v63 =	vld.idx.msk [tilespmem:v50+s10+$0x0], $0xffff;
	v62 =	vsub.f32 v49, v48;
	v61 =	vmul.f32 v57, v57;
	v8 =	vadd.f32 v56, v8  }
0x7f: {  	v25 =	vor.u32 v3, v15;
	v24 =	vld [tilespmem:s31+$0x0]  }
0x80: {  	v28 =	vld.idx.msk [tilespmem:v55+s10+$0x0], $0xffff;
	v27 =	vsub.f32 v54, v53;
	v26 =	vmul.f32 v62, v62;
	v8 =	vadd.f32 v61, v8  }
0x81: {  	v30 =	vor.u32 v4, v15;
	v29 =	vld [tilespmem:s31+$0x10]  }
0x82: {  	v34 =	vld.idx.msk [tilespmem:v60+s10+$0x0], $0xffff;
	v33 =	vsub.f32 v59, v58;
	v32 =	vmul.f32 v27, v27;
	v8 =	vadd.f32 v26, v8  }
0x83: {  	v35 =	vor.u32 v5, v15;
	v31 =	vld [tilespmem:s31+$0x20]  }
0x84: {  	v38 =	vld.idx.msk [tilespmem:v25+s10+$0x0], $0xffff;
	v37 =	vsub.f32 v24, v63;
	v36 =	vmul.f32 v33, v33;
	v8 =	vadd.f32 v32, v8  }
0x85: {  	v40 =	vor.u32 v6, v15;
	v39 =	vld [tilespmem:s31+$0x30]  }
0x86: {  	v44 =	vld [tilespmem:s31+$0x40];
	v41 =	vmul.f32 v37, v37;
	v42 =	vsub.f32 v29, v28;
	v8 =	vadd.f32 v36, v8  }
0x87: {  	v15 =	vor.u32 v7, v15;
	v43 =	vld.idx.msk [tilespmem:v30+s10+$0x0], $0xffff  }
0x88: {  	v48 =	vld [tilespmem:s31+$0x50];
	v45 =	vmul.f32 v42, v42;
	v46 =	vsub.f32 v31, v34;
	v8 =	vadd.f32 v41, v8  }
0x89: {  	v47 =	vld.idx.msk [tilespmem:v35+s10+$0x0], $0xffff  }
0x8a: {  	v52 =	vld [tilespmem:s31+$0x60];
	v50 =	vsub.f32 v39, v38;
	v49 =	vmul.f32 v46, v46;
	v8 =	vadd.f32 v45, v8  }
0x8b: {  	v51 =	vld.idx.msk [tilespmem:v40+s10+$0x0], $0xffff  }
0x8c: {  	v55 =	vld.idx.msk [tilespmem:v15+s10+$0x0], $0xffff;
	v53 =	vmul.f32 v50, v50;
	v54 =	vsub.f32 v44, v43;
	v8 =	vadd.f32 v49, v8  }
0x8d: {  	v56 =	vld [tilespmem:s31+$0x70]  }
0x8e: {  	v58 =	vsub.f32 v48, v47;
	v57 =	vmul.f32 v54, v54;
	v8 =	vadd.f32 v53, v8;
	_ =	sdelay $0x1  }
0x8f: {  	v59 =	vmul.f32 v58, v58;
	v60 =	vsub.f32 v52, v51;
	v8 =	vadd.f32 v57, v8;
	_ =	sdelay $0x1  }
0x90: {  	v61 =	vmul.f32 v60, v60;
	v62 =	vsub.f32 v56, v55;
	v8 =	vadd.f32 v59, v8;
	_ =	sdelay $0x1  }
0x91: {  	v63 =	vmul.f32 v62, v62;
	v8 =	vadd.f32 v61, v8;
	_ =	sdelay $0x1  }
0x92: {  	s14 =	sadd.s32 $0x1, s14;
	v8 =	vadd.f32 v63, v8  }
0x93: {  	p1 =	sne.s32 s14, s7  }
.Ltmp1:
0x94: {  	[tilespmem:$0x77A0] =	vst v8;
	(pc) =	sbr.rel @p1 .LBB2_1-.Ltmp1, $4  }
0x95: {  	[hbm4b:s6+s3] =	stream.linear.scatter [tilespmem:s13], [sflag:$0x2], $0x80, $0x38;
	[tilespmem:$0x7820] =	vst v63  }
0x96: {  	_ =	swait.ge [sflag:s11], $0x80  }
0x97: {  	[sflag:s11] =	ssyncset.done $0x0  }
0x98: {  	[sflag:s11] =	ssyncadd.s32 $0xFFFFFF80  }
0x99: {  	_ =	sfence.sel $0x180000  }
0x9a: {  	[bflag:$0x0] =	sbarrier.arrive $0xFFFF  }
0x9b: {  	_ =	strace $0x90000047  }
0x9c: {  	s0 =	sadd.s32 @!p0 $0x100000, s0;
	[bflag:$0x2] =	sbarrier.arrive $0xFFFF  }
0x9d: {  	[sflag:s0] =	ssyncadd.tile.s32 @!p0 $0x1;
	_ =	shalt  }
.Lfunc_end2:
_tile_overlayer_lowered:
.L_overlay_start_2:
0x9e: {  	(tag) =	ssettag $0x2  }
0x9f: {  	s0 =	rddreg [dreg:$0x0];
	s2 =	stileid.u32  }
0xa0: {  	s1 =	rddreg [dreg:$0x1];
	p0 =	sne.s32 s2, $0x0  }
0xa1: {  	s3 =	rddreg [dreg:$0x2];
	[bflag:$0x3] =	sbarrier.arrive $0xFFFF;
	s2 =	simm.s32 @!p0 $0x1C02  }
0xa2: {  	[timem:s3], [sflag:s2] =	dma.local @!p0 [hbm:s0], s1  }
0xa3: {  	s0 =	simm.s32 @!p0 $0x2  }
0xa4: {  	_ =	swait.ge @!p0 [sflag:s0], s1  }
0xa5: {  	s1 =	ssub.s32 @!p0 $0x0, s1;
	[sflag:s0] =	ssyncset.done @!p0 $0x0  }
0xa6: {  	[sflag:s0] =	ssyncadd.s32 @!p0 s1  }
0xa7: {  	[bflag:$0x3] =	sbarrier.arrive $0xFFFF  }
0xa8: {  	_ =	shalt  }

</sc_bundles>
